<compile_context>
chip_gen: v7x
topology: tpu7x:2x2x1
jax: 0.10.2.dev20260603
libtpu: 0.0.44.dev20260713+nightly
codegen_flags: <defaults>
</compile_context>

<pallas_src>
import functools

import jax
import jax.numpy as jnp
from jax import lax
from jax.experimental import pallas as pl
from jax.experimental.pallas import tpu as pltpu
from jax.experimental.pallas import tpu_sc as plsc

_B = 4096
_S = 8192
_D = 128
_BT = 2048
_L = 16

_info = plsc.get_sparse_core_info()
_NC = _info.num_cores
_NS = _info.num_subcores
_NW = _NC * _NS
_SPW = _S // _NW
_BPW = _B // _NW

_sc_mesh = plsc.VectorSubcoreMesh(core_axis_name="c", subcore_axis_name="s")


@functools.partial(
    pl.kernel,
    mesh=_sc_mesh,
    out_type=jax.ShapeDtypeStruct((_S, _D), jnp.float32),
    scratch_types=[
        pltpu.VMEM((_SPW,), jnp.int32),
        pltpu.VMEM((_SPW // 2, _D), jnp.float32),
        pltpu.VMEM((_SPW // 2, _D), jnp.float32),
        pltpu.SemaphoreType.DMA,
        pltpu.SemaphoreType.DMA,
        pltpu.SemaphoreType.DMA,
        pltpu.SemaphoreType.DMA,
    ],
)
def _sc_gather_samples(weight_hbm, sids_hbm, out_s, sidx_v, rows_a, rows_b,
                       sem_a, sem_b, sem_wa, sem_wb):
    wid = lax.axis_index("s") * _NC + lax.axis_index("c")
    half = _SPW // 2
    sbase = wid * _SPW
    pltpu.sync_copy(sids_hbm.at[pl.ds(sbase, _SPW)], sidx_v)
    cp_a = pltpu.async_copy(weight_hbm.at[sidx_v.at[pl.ds(0, half)]],
                            rows_a, sem_a)
    cp_b = pltpu.async_copy(weight_hbm.at[sidx_v.at[pl.ds(half, half)]],
                            rows_b, sem_b)
    cp_a.wait()
    wb_a = pltpu.async_copy(rows_a, out_s.at[pl.ds(sbase, half)], sem_wa)
    cp_b.wait()
    wb_b = pltpu.async_copy(rows_b, out_s.at[pl.ds(sbase + half, half)],
                            sem_wb)
    wb_a.wait()
    wb_b.wait()


@functools.partial(
    pl.kernel,
    mesh=_sc_mesh,
    out_type=jax.ShapeDtypeStruct((_NW, _L), jnp.float32),
    scratch_types=[
        pltpu.VMEM((_BPW,), jnp.int32),
        pltpu.VMEM((_BPW, _D), jnp.float32),
        pltpu.VMEM((_BPW, _D), jnp.float32),
        pltpu.VMEM((_L,), jnp.float32),
        pltpu.SemaphoreType.DMA,
    ],
)
def _sc_true_dot(x_hbm, labels_hbm, weight_hbm, out_p,
                 lidx_v, lrows_v, xrows_v, acc_v, sem):
    wid = lax.axis_index("s") * _NC + lax.axis_index("c")
    lbase = wid * _BPW
    pltpu.sync_copy(labels_hbm.at[pl.ds(lbase, _BPW)], lidx_v)
    cp_l = pltpu.async_copy(weight_hbm.at[lidx_v], lrows_v, sem)
    pltpu.sync_copy(x_hbm.at[pl.ds(lbase, _BPW)], xrows_v)
    cp_l.wait()

    def body(r, acc):
        for c in range(_D // _L):
            acc = acc + (lrows_v[r, pl.ds(c * _L, _L)]
                         * xrows_v[r, pl.ds(c * _L, _L)])
        return acc

    acc_v[...] = lax.fori_loop(0, _BPW, body, jnp.zeros((_L,), jnp.float32))
    pltpu.sync_copy(acc_v, out_p.at[wid])


def _lse_body(x_ref, sw_ref, out_ref):
    i = pl.program_id(0)
    logits = lax.dot_general(
        x_ref[...].astype(jnp.bfloat16), sw_ref[...].astype(jnp.bfloat16),
        (((1,), (1,)), ((), ())),
        preferred_element_type=jnp.float32)
    rowsum = jnp.sum(jnp.exp(logits), axis=1)
    contrib = jnp.sum(jnp.log(rowsum))

    @pl.when(i == 0)
    def _():
        out_ref[0, 0] = contrib

    @pl.when(i != 0)
    def _():
        out_ref[0, 0] += contrib


def _tc_lse(x, sw):
    out = pl.pallas_call(
        _lse_body,
        grid=(_B // _BT,),
        in_specs=[
            pl.BlockSpec((_BT, _D), lambda i: (i, 0)),
            pl.BlockSpec((_S, _D), lambda i: (0, 0)),
        ],
        out_specs=pl.BlockSpec((1, 1), lambda i: (0, 0),
                               memory_space=pltpu.SMEM),
        out_shape=jax.ShapeDtypeStruct((1, 1), jnp.float32),
        cost_estimate=pl.CostEstimate(
            flops=2 * _B * _S * _D, transcendentals=_B * _S,
            bytes_accessed=(_B * _D * 4 + _S * _D * 4)),
    )(x, sw)
    return out[0, 0]


def kernel(inputs, labels, sample_ids, weight):
    sw = _sc_gather_samples(weight, sample_ids.astype(jnp.int32))
    lse = _tc_lse(inputs, sw)
    part = _sc_true_dot(inputs, labels.astype(jnp.int32), weight)
    return lse - jnp.sum(part)

# --- scband reference (transcript-rebuilt; emitter-appended) ---
"""Pipeline reference for scband-sampled-softmax-6081673691402 (READ-ONLY COPY).

The authoritative reference and input builder live on the scoring server;
editing this copy changes nothing except your own understanding.
"""

import jax, jax.numpy as jnp
import numpy as np
import math

NTOKENS = 100000
NSAMPLED = 8192
NHID = 128
BATCH = 4096


def setup_inputs(seed: int = 0) -> dict:
    key = jax.random.key(seed)
    k1, k2, k3, k4 = jax.random.split(key, 4)
    inputs = jax.random.normal(k1, (BATCH, NHID), dtype=jnp.float32)
    labels = jax.random.randint(k2, (BATCH,), 0, NTOKENS, dtype=jnp.int64)
    sample_ids = jax.random.randint(k3, (NSAMPLED,), 0, NTOKENS, dtype=jnp.int64)
    stdv = math.sqrt(6.0 / (NTOKENS + NHID))
    weight = jax.random.uniform(k4, (NTOKENS, NHID), dtype=jnp.float32, minval=-stdv, maxval=stdv)
    return {"inputs": inputs, "labels": labels, "sample_ids": sample_ids, "weight": weight}


def reference(inputs, labels, sample_ids, weight):
    # gather true-label rows and sampled rows from the softmax weight table
    true_weights = jnp.take(weight, labels, axis=0)          # [B, d]
    sample_weights = jnp.take(weight, sample_ids, axis=0)    # [S, d]
    # sampled softmax loss (On Using Very Large Target Vocabulary for NMT)
    true_logits = jnp.exp(jnp.sum(inputs * true_weights, axis=1))          # [B]
    sample_logits = jnp.exp(jnp.matmul(inputs, sample_weights.T))          # [B, S]
    logits = -jnp.log(true_logits / jnp.sum(sample_logits, axis=1))        # [B]
    return jnp.sum(logits)

if __name__ == "__main__":
    import jax
    _d = setup_inputs()
    print(jax.jit(kernel)(*tuple(_d.values())))

</pallas_src>

<mosaic_0001>
#map = affine_map<(d0, d1) -> (0, 0)>
#map1 = affine_map<(d0, d1) -> (0)>
module attributes {stable_mosaic.version = 14 : i64} {
  func.func @_sc_true_dot(%arg0: i32, %arg1: i32, %arg2: memref<4096x128xf32, #tpu.memory_space<hbm>>, %arg3: memref<4096xi32, #tpu.memory_space<hbm>>, %arg4: memref<100000x128xf32, #tpu.memory_space<hbm>>, %arg5: memref<32x16xf32, #tpu.memory_space<hbm>>, %arg6: memref<128xi32, #tpu.memory_space<vmem>>, %arg7: memref<128x128xf32, #tpu.memory_space<vmem>>, %arg8: memref<128x128xf32, #tpu.memory_space<vmem>>, %arg9: memref<16xf32, #tpu.memory_space<vmem>>, %arg10: memref<!tpu.dma_semaphore, #tpu.memory_space<semaphore_mem>>) attributes {dimension_semantics = [#tpu.dimension_semantics<core_parallel>, #tpu.dimension_semantics<subcore_parallel>], iteration_bounds = array<i64: 2, 16>, scalar_prefetch = 0 : i64, scratch_operands = 5 : i64, tpu.core_type = #tpu.core_type<sc_vector_subcore>, window_params = [{transform_indices = #map}, {transform_indices = #map1}, {transform_indices = #map}, {transform_indices = #map}]} {
    %mul3A = arith.constant 2 : i32
    %mul3A_0 = arith.muli %arg1, %mul3A : i32
    %add3A = arith.addi %mul3A_0, %arg0 : i32
    %mul3A_1 = arith.constant 128 : i32
    %mul3A_2 = arith.muli %add3A, %mul3A_1 : i32
    "tpu.region"() ({
      %run_scoped3A = tpu.sem_alloc : memref<!tpu.dma_semaphore, #tpu.memory_space<semaphore_mem>>
      %dma_start3A_16 = tpu.memref_slice %arg3[%mul3A_2] : memref<4096xi32, #tpu.memory_space<hbm>> -> memref<128xi32, #tpu.memory_space<hbm>>
      %dma_start3A_17 = tpu.memref_slice %arg3[%mul3A_2] : memref<4096xi32, #tpu.memory_space<hbm>> -> memref<128xi32, #tpu.memory_space<hbm>>
      tpu.enqueue_dma source(%dma_start3A_17 : memref<128xi32, #tpu.memory_space<hbm>>) target(%arg6 : memref<128xi32, #tpu.memory_space<vmem>>) target_semaphore(%run_scoped3A : memref<!tpu.dma_semaphore, #tpu.memory_space<semaphore_mem>>)
      %dma_wait3A_18 = tpu.memref_slice %arg3[%mul3A_2] : memref<4096xi32, #tpu.memory_space<hbm>> -> memref<128xi32, #tpu.memory_space<hbm>>
      %dma_wait3A_19 = tpu.memref_slice %arg3[%mul3A_2] : memref<4096xi32, #tpu.memory_space<hbm>> -> memref<128xi32, #tpu.memory_space<hbm>>
      tpu.wait_dma2 semaphore(%run_scoped3A : memref<!tpu.dma_semaphore, #tpu.memory_space<semaphore_mem>>) src(%dma_wait3A_19 : memref<128xi32, #tpu.memory_space<hbm>>) dst(%arg6 : memref<128xi32, #tpu.memory_space<vmem>>)
      tpu.yield
    }) : () -> ()
    %dma_start3A = arith.constant 0 : i32
    %dma_start3A_3 = arith.constant 0 : i32
    %dma_start3A_4 = tpu.memref_slice %arg4[%dma_start3A, %dma_start3A_3] : memref<100000x128xf32, #tpu.memory_space<hbm>> -> memref<100000x128xf32, #tpu.memory_space<hbm>>
    tpu.enqueue_indirect_dma source(%dma_start3A_4 : memref<100000x128xf32, #tpu.memory_space<hbm>>) target(%arg7 : memref<128x128xf32, #tpu.memory_space<vmem>>) offsets(%arg6 : memref<128xi32, #tpu.memory_space<vmem>>) semaphore(%arg10 : memref<!tpu.dma_semaphore, #tpu.memory_space<semaphore_mem>>)
    "tpu.region"() ({
      %run_scoped3A = tpu.sem_alloc : memref<!tpu.dma_semaphore, #tpu.memory_space<semaphore_mem>>
      %dma_start3A_16 = arith.constant 0 : i32
      %dma_start3A_17 = tpu.memref_slice %arg2[%mul3A_2, %dma_start3A_16] : memref<4096x128xf32, #tpu.memory_space<hbm>> -> memref<128x128xf32, #tpu.memory_space<hbm>>
      %dma_start3A_18 = arith.constant 0 : i32
      %dma_start3A_19 = tpu.memref_slice %arg2[%mul3A_2, %dma_start3A_18] : memref<4096x128xf32, #tpu.memory_space<hbm>> -> memref<128x128xf32, #tpu.memory_space<hbm>>
      tpu.enqueue_dma source(%dma_start3A_19 : memref<128x128xf32, #tpu.memory_space<hbm>>) target(%arg8 : memref<128x128xf32, #tpu.memory_space<vmem>>) target_semaphore(%run_scoped3A : memref<!tpu.dma_semaphore, #tpu.memory_space<semaphore_mem>>)
      %dma_wait3A_20 = arith.constant 0 : i32
      %dma_wait3A_21 = tpu.memref_slice %arg2[%mul3A_2, %dma_wait3A_20] : memref<4096x128xf32, #tpu.memory_space<hbm>> -> memref<128x128xf32, #tpu.memory_space<hbm>>
      %dma_wait3A_22 = arith.constant 0 : i32
      %dma_wait3A_23 = tpu.memref_slice %arg2[%mul3A_2, %dma_wait3A_22] : memref<4096x128xf32, #tpu.memory_space<hbm>> -> memref<128x128xf32, #tpu.memory_space<hbm>>
      tpu.wait_dma2 semaphore(%run_scoped3A : memref<!tpu.dma_semaphore, #tpu.memory_space<semaphore_mem>>) src(%dma_wait3A_23 : memref<128x128xf32, #tpu.memory_space<hbm>>) dst(%arg8 : memref<128x128xf32, #tpu.memory_space<vmem>>)
      tpu.yield
    }) : () -> ()
    %dma_wait3A = arith.constant 0 : i32
    %dma_wait3A_5 = arith.constant 0 : i32
    %dma_wait3A_6 = tpu.memref_slice %arg4[%dma_wait3A, %dma_wait3A_5] : memref<100000x128xf32, #tpu.memory_space<hbm>> -> memref<100000x128xf32, #tpu.memory_space<hbm>>
    tpu.wait_indirect_dma semaphore(%arg10 : memref<!tpu.dma_semaphore, #tpu.memory_space<semaphore_mem>>) src(%dma_wait3A_6 : memref<100000x128xf32, #tpu.memory_space<hbm>>) dst(%arg7 : memref<128x128xf32, #tpu.memory_space<vmem>>)
    %broadcast_in_dim3A = arith.constant 0.000000e+00 : f32
    %broadcast_in_dim3A_7 = vector.broadcast %broadcast_in_dim3A : f32 to vector<16xf32>
    %scan3A = arith.constant 0 : i32
    %scan3A_8 = arith.constant 128 : i32
    %scan3A_9 = arith.addi %scan3A, %scan3A_8 : i32
    %scan3A_10 = arith.constant 1 : i32
    %scan3A_11 = scf.for %scan3A_16 = %scan3A to %scan3A_9 step %scan3A_10 iter_args(%scan3A_17 = %broadcast_in_dim3A_7) -> (vector<16xf32>)  : i32 {
      %get3A = arith.index_cast %scan3A_16 : i32 to index
      %get3A_18 = arith.constant 0 : index
      %get3A_19 = tpu.vector_load %arg7[%get3A, %get3A_18] {strides = array<i32>} : memref<128x128xf32, #tpu.memory_space<vmem>>, vector<1x16xf32>,
      %get3A_20 = vector.shape_cast %get3A_19 : vector<1x16xf32> to vector<16xf32>
      %get3A_21 = arith.index_cast %scan3A_16 : i32 to index
      %get3A_22 = arith.constant 0 : index
      %get3A_23 = tpu.vector_load %arg8[%get3A_21, %get3A_22] {strides = array<i32>} : memref<128x128xf32, #tpu.memory_space<vmem>>, vector<1x16xf32>,
      %get3A_24 = vector.shape_cast %get3A_23 : vector<1x16xf32> to vector<16xf32>
      %mul3A_25 = arith.mulf %get3A_20, %get3A_24 : vector<16xf32>
      %add3A_26 = arith.addf %scan3A_17, %mul3A_25 : vector<16xf32>
      %get3A_27 = arith.index_cast %scan3A_16 : i32 to index
      %get3A_28 = arith.constant 16 : index
      %get3A_29 = tpu.vector_load %arg7[%get3A_27, %get3A_28] {strides = array<i32>} : memref<128x128xf32, #tpu.memory_space<vmem>>, vector<1x16xf32>,
      %get3A_30 = vector.shape_cast %get3A_29 : vector<1x16xf32> to vector<16xf32>
      %get3A_31 = arith.index_cast %scan3A_16 : i32 to index
      %get3A_32 = arith.constant 16 : index
      %get3A_33 = tpu.vector_load %arg8[%get3A_31, %get3A_32] {strides = array<i32>} : memref<128x128xf32, #tpu.memory_space<vmem>>, vector<1x16xf32>,
      %get3A_34 = vector.shape_cast %get3A_33 : vector<1x16xf32> to vector<16xf32>
      %mul3A_35 = arith.mulf %get3A_30, %get3A_34 : vector<16xf32>
      %add3A_36 = arith.addf %add3A_26, %mul3A_35 : vector<16xf32>
      %get3A_37 = arith.index_cast %scan3A_16 : i32 to index
      %get3A_38 = arith.constant 32 : index
      %get3A_39 = tpu.vector_load %arg7[%get3A_37, %get3A_38] {strides = array<i32>} : memref<128x128xf32, #tpu.memory_space<vmem>>, vector<1x16xf32>,
      %get3A_40 = vector.shape_cast %get3A_39 : vector<1x16xf32> to vector<16xf32>
      %get3A_41 = arith.index_cast %scan3A_16 : i32 to index
      %get3A_42 = arith.constant 32 : index
      %get3A_43 = tpu.vector_load %arg8[%get3A_41, %get3A_42] {strides = array<i32>} : memref<128x128xf32, #tpu.memory_space<vmem>>, vector<1x16xf32>,
      %get3A_44 = vector.shape_cast %get3A_43 : vector<1x16xf32> to vector<16xf32>
      %mul3A_45 = arith.mulf %get3A_40, %get3A_44 : vector<16xf32>
      %add3A_46 = arith.addf %add3A_36, %mul3A_45 : vector<16xf32>
      %get3A_47 = arith.index_cast %scan3A_16 : i32 to index
      %get3A_48 = arith.constant 48 : index
      %get3A_49 = tpu.vector_load %arg7[%get3A_47, %get3A_48] {strides = array<i32>} : memref<128x128xf32, #tpu.memory_space<vmem>>, vector<1x16xf32>,
      %get3A_50 = vector.shape_cast %get3A_49 : vector<1x16xf32> to vector<16xf32>
      %get3A_51 = arith.index_cast %scan3A_16 : i32 to index
      %get3A_52 = arith.constant 48 : index
      %get3A_53 = tpu.vector_load %arg8[%get3A_51, %get3A_52] {strides = array<i32>} : memref<128x128xf32, #tpu.memory_space<vmem>>, vector<1x16xf32>,
      %get3A_54 = vector.shape_cast %get3A_53 : vector<1x16xf32> to vector<16xf32>
      %mul3A_55 = arith.mulf %get3A_50, %get3A_54 : vector<16xf32>
      %add3A_56 = arith.addf %add3A_46, %mul3A_55 : vector<16xf32>
      %get3A_57 = arith.index_cast %scan3A_16 : i32 to index
      %get3A_58 = arith.constant 64 : index
      %get3A_59 = tpu.vector_load %arg7[%get3A_57, %get3A_58] {strides = array<i32>} : memref<128x128xf32, #tpu.memory_space<vmem>>, vector<1x16xf32>,
      %get3A_60 = vector.shape_cast %get3A_59 : vector<1x16xf32> to vector<16xf32>
      %get3A_61 = arith.index_cast %scan3A_16 : i32 to index
      %get3A_62 = arith.constant 64 : index
      %get3A_63 = tpu.vector_load %arg8[%get3A_61, %get3A_62] {strides = array<i32>} : memref<128x128xf32, #tpu.memory_space<vmem>>, vector<1x16xf32>,
      %get3A_64 = vector.shape_cast %get3A_63 : vector<1x16xf32> to vector<16xf32>
      %mul3A_65 = arith.mulf %get3A_60, %get3A_64 : vector<16xf32>
      %add3A_66 = arith.addf %add3A_56, %mul3A_65 : vector<16xf32>
      %get3A_67 = arith.index_cast %scan3A_16 : i32 to index
      %get3A_68 = arith.constant 80 : index
      %get3A_69 = tpu.vector_load %arg7[%get3A_67, %get3A_68] {strides = array<i32>} : memref<128x128xf32, #tpu.memory_space<vmem>>, vector<1x16xf32>,
      %get3A_70 = vector.shape_cast %get3A_69 : vector<1x16xf32> to vector<16xf32>
      %get3A_71 = arith.index_cast %scan3A_16 : i32 to index
      %get3A_72 = arith.constant 80 : index
      %get3A_73 = tpu.vector_load %arg8[%get3A_71, %get3A_72] {strides = array<i32>} : memref<128x128xf32, #tpu.memory_space<vmem>>, vector<1x16xf32>,
      %get3A_74 = vector.shape_cast %get3A_73 : vector<1x16xf32> to vector<16xf32>
      %mul3A_75 = arith.mulf %get3A_70, %get3A_74 : vector<16xf32>
      %add3A_76 = arith.addf %add3A_66, %mul3A_75 : vector<16xf32>
      %get3A_77 = arith.index_cast %scan3A_16 : i32 to index
      %get3A_78 = arith.constant 96 : index
      %get3A_79 = tpu.vector_load %arg7[%get3A_77, %get3A_78] {strides = array<i32>} : memref<128x128xf32, #tpu.memory_space<vmem>>, vector<1x16xf32>,
      %get3A_80 = vector.shape_cast %get3A_79 : vector<1x16xf32> to vector<16xf32>
      %get3A_81 = arith.index_cast %scan3A_16 : i32 to index
      %get3A_82 = arith.constant 96 : index
      %get3A_83 = tpu.vector_load %arg8[%get3A_81, %get3A_82] {strides = array<i32>} : memref<128x128xf32, #tpu.memory_space<vmem>>, vector<1x16xf32>,
      %get3A_84 = vector.shape_cast %get3A_83 : vector<1x16xf32> to vector<16xf32>
      %mul3A_85 = arith.mulf %get3A_80, %get3A_84 : vector<16xf32>
      %add3A_86 = arith.addf %add3A_76, %mul3A_85 : vector<16xf32>
      %get3A_87 = arith.index_cast %scan3A_16 : i32 to index
      %get3A_88 = arith.constant 112 : index
      %get3A_89 = tpu.vector_load %arg7[%get3A_87, %get3A_88] {strides = array<i32>} : memref<128x128xf32, #tpu.memory_space<vmem>>, vector<1x16xf32>,
      %get3A_90 = vector.shape_cast %get3A_89 : vector<1x16xf32> to vector<16xf32>
      %get3A_91 = arith.index_cast %scan3A_16 : i32 to index
      %get3A_92 = arith.constant 112 : index
      %get3A_93 = tpu.vector_load %arg8[%get3A_91, %get3A_92] {strides = array<i32>} : memref<128x128xf32, #tpu.memory_space<vmem>>, vector<1x16xf32>,
      %get3A_94 = vector.shape_cast %get3A_93 : vector<1x16xf32> to vector<16xf32>
      %mul3A_95 = arith.mulf %get3A_90, %get3A_94 : vector<16xf32>
      %add3A_96 = arith.addf %add3A_86, %mul3A_95 : vector<16xf32>
      scf.yield %add3A_96 : vector<16xf32>
    }
    %scan3A_12 = arith.constant 128 : i32
    %swap3A = arith.constant 0 : index
    %swap3A_13 = tpu.vector_load %arg9[%swap3A] {strides = array<i32>} : memref<16xf32, #tpu.memory_space<vmem>>, vector<16xf32>,
    %swap3A_14 = vector.shape_cast %swap3A_13 : vector<16xf32> to vector<16xf32>
    %swap3A_15 = vector.shape_cast %scan3A_11 : vector<16xf32> to vector<16xf32>
    tpu.vector_store %arg9[%swap3A], %swap3A_15 {strides = array<i32>} : memref<16xf32, #tpu.memory_space<vmem>>, vector<16xf32>,
    "tpu.region"() ({
      %run_scoped3A = tpu.sem_alloc : memref<!tpu.dma_semaphore, #tpu.memory_space<semaphore_mem>>
      %dma_start3A_16 = arith.constant 0 : i32
      %dma_start3A_17 = tpu.memref_slice %arg5[%add3A, %dma_start3A_16] : memref<32x16xf32, #tpu.memory_space<hbm>> -> memref<1x16xf32, #tpu.memory_space<hbm>>
      %dma_start3A_18 = tpu.memref_squeeze %dma_start3A_17 : memref<1x16xf32, #tpu.memory_space<hbm>> -> memref<16xf32, #tpu.memory_space<hbm>>
      %dma_start3A_19 = arith.constant 0 : i32
      %dma_start3A_20 = tpu.memref_slice %arg5[%add3A, %dma_start3A_19] : memref<32x16xf32, #tpu.memory_space<hbm>> -> memref<1x16xf32, #tpu.memory_space<hbm>>
      %dma_start3A_21 = tpu.memref_squeeze %dma_start3A_20 : memref<1x16xf32, #tpu.memory_space<hbm>> -> memref<16xf32, #tpu.memory_space<hbm>>
      tpu.enqueue_dma source(%arg9 : memref<16xf32, #tpu.memory_space<vmem>>) target(%dma_start3A_21 : memref<16xf32, #tpu.memory_space<hbm>>) target_semaphore(%run_scoped3A : memref<!tpu.dma_semaphore, #tpu.memory_space<semaphore_mem>>)
      %dma_wait3A_22 = arith.constant 0 : i32
      %dma_wait3A_23 = tpu.memref_slice %arg5[%add3A, %dma_wait3A_22] : memref<32x16xf32, #tpu.memory_space<hbm>> -> memref<1x16xf32, #tpu.memory_space<hbm>>
      %dma_wait3A_24 = tpu.memref_squeeze %dma_wait3A_23 : memref<1x16xf32, #tpu.memory_space<hbm>> -> memref<16xf32, #tpu.memory_space<hbm>>
      %dma_wait3A_25 = arith.constant 0 : i32
      %dma_wait3A_26 = tpu.memref_slice %arg5[%add3A, %dma_wait3A_25] : memref<32x16xf32, #tpu.memory_space<hbm>> -> memref<1x16xf32, #tpu.memory_space<hbm>>
      %dma_wait3A_27 = tpu.memref_squeeze %dma_wait3A_26 : memref<1x16xf32, #tpu.memory_space<hbm>> -> memref<16xf32, #tpu.memory_space<hbm>>
      tpu.wait_dma2 semaphore(%run_scoped3A : memref<!tpu.dma_semaphore, #tpu.memory_space<semaphore_mem>>) src(%arg9 : memref<16xf32, #tpu.memory_space<vmem>>) dst(%dma_wait3A_27 : memref<16xf32, #tpu.memory_space<hbm>>)
      tpu.yield
    }) : () -> ()
    return
  }
}

#map = affine_map<(d0, d1) -> (0, 0)>
#map1 = affine_map<(d0, d1) -> (0)>
module attributes {stable_mosaic.version = 14 : i64} {
  func.func @_sc_gather_samples(%arg0: i32, %arg1: i32, %arg2: memref<100000x128xf32, #tpu.memory_space<hbm>>, %arg3: memref<8192xi32, #tpu.memory_space<hbm>>, %arg4: memref<8192x128xf32, #tpu.memory_space<hbm>>, %arg5: memref<256xi32, #tpu.memory_space<vmem>>, %arg6: memref<128x128xf32, #tpu.memory_space<vmem>>, %arg7: memref<128x128xf32, #tpu.memory_space<vmem>>, %arg8: memref<!tpu.dma_semaphore, #tpu.memory_space<semaphore_mem>>, %arg9: memref<!tpu.dma_semaphore, #tpu.memory_space<semaphore_mem>>, %arg10: memref<!tpu.dma_semaphore, #tpu.memory_space<semaphore_mem>>, %arg11: memref<!tpu.dma_semaphore, #tpu.memory_space<semaphore_mem>>) attributes {dimension_semantics = [#tpu.dimension_semantics<core_parallel>, #tpu.dimension_semantics<subcore_parallel>], iteration_bounds = array<i64: 2, 16>, scalar_prefetch = 0 : i64, scratch_operands = 7 : i64, tpu.core_type = #tpu.core_type<sc_vector_subcore>, window_params = [{transform_indices = #map}, {transform_indices = #map1}, {transform_indices = #map}]} {
    %mul3A = arith.constant 2 : i32
    %mul3A_0 = arith.muli %arg1, %mul3A : i32
    %add3A = arith.addi %mul3A_0, %arg0 : i32
    %mul3A_1 = arith.constant 256 : i32
    %mul3A_2 = arith.muli %add3A, %mul3A_1 : i32
    "tpu.region"() ({
      %run_scoped3A = tpu.sem_alloc : memref<!tpu.dma_semaphore, #tpu.memory_space<semaphore_mem>>
      %dma_start3A_39 = tpu.memref_slice %arg3[%mul3A_2] : memref<8192xi32, #tpu.memory_space<hbm>> -> memref<256xi32, #tpu.memory_space<hbm>>
      %dma_start3A_40 = tpu.memref_slice %arg3[%mul3A_2] : memref<8192xi32, #tpu.memory_space<hbm>> -> memref<256xi32, #tpu.memory_space<hbm>>
      tpu.enqueue_dma source(%dma_start3A_40 : memref<256xi32, #tpu.memory_space<hbm>>) target(%arg5 : memref<256xi32, #tpu.memory_space<vmem>>) target_semaphore(%run_scoped3A : memref<!tpu.dma_semaphore, #tpu.memory_space<semaphore_mem>>)
      %dma_wait3A_41 = tpu.memref_slice %arg3[%mul3A_2] : memref<8192xi32, #tpu.memory_space<hbm>> -> memref<256xi32, #tpu.memory_space<hbm>>
      %dma_wait3A_42 = tpu.memref_slice %arg3[%mul3A_2] : memref<8192xi32, #tpu.memory_space<hbm>> -> memref<256xi32, #tpu.memory_space<hbm>>
      tpu.wait_dma2 semaphore(%run_scoped3A : memref<!tpu.dma_semaphore, #tpu.memory_space<semaphore_mem>>) src(%dma_wait3A_42 : memref<256xi32, #tpu.memory_space<hbm>>) dst(%arg5 : memref<256xi32, #tpu.memory_space<vmem>>)
      tpu.yield
    }) : () -> ()
    %dma_start3A = arith.constant 0 : i32
    %dma_start3A_3 = tpu.memref_slice %arg5[%dma_start3A] : memref<256xi32, #tpu.memory_space<vmem>> -> memref<128xi32, #tpu.memory_space<vmem>>
    %dma_start3A_4 = arith.constant 0 : i32
    %dma_start3A_5 = arith.constant 0 : i32
    %dma_start3A_6 = tpu.memref_slice %arg2[%dma_start3A_4, %dma_start3A_5] : memref<100000x128xf32, #tpu.memory_space<hbm>> -> memref<100000x128xf32, #tpu.memory_space<hbm>>
    tpu.enqueue_indirect_dma source(%dma_start3A_6 : memref<100000x128xf32, #tpu.memory_space<hbm>>) target(%arg6 : memref<128x128xf32, #tpu.memory_space<vmem>>) offsets(%dma_start3A_3 : memref<128xi32, #tpu.memory_space<vmem>>) semaphore(%arg8 : memref<!tpu.dma_semaphore, #tpu.memory_space<semaphore_mem>>)
    %dma_start3A_7 = arith.constant 128 : i32
    %dma_start3A_8 = tpu.memref_slice %arg5[%dma_start3A_7] : memref<256xi32, #tpu.memory_space<vmem>> -> memref<128xi32, #tpu.memory_space<vmem>>
    %dma_start3A_9 = arith.constant 0 : i32
    %dma_start3A_10 = arith.constant 0 : i32
    %dma_start3A_11 = tpu.memref_slice %arg2[%dma_start3A_9, %dma_start3A_10] : memref<100000x128xf32, #tpu.memory_space<hbm>> -> memref<100000x128xf32, #tpu.memory_space<hbm>>
    tpu.enqueue_indirect_dma source(%dma_start3A_11 : memref<100000x128xf32, #tpu.memory_space<hbm>>) target(%arg7 : memref<128x128xf32, #tpu.memory_space<vmem>>) offsets(%dma_start3A_8 : memref<128xi32, #tpu.memory_space<vmem>>) semaphore(%arg9 : memref<!tpu.dma_semaphore, #tpu.memory_space<semaphore_mem>>)
    %dma_wait3A = arith.constant 0 : i32
    %dma_wait3A_12 = tpu.memref_slice %arg5[%dma_wait3A] : memref<256xi32, #tpu.memory_space<vmem>> -> memref<128xi32, #tpu.memory_space<vmem>>
    %dma_wait3A_13 = arith.constant 0 : i32
    %dma_wait3A_14 = arith.constant 0 : i32
    %dma_wait3A_15 = tpu.memref_slice %arg2[%dma_wait3A_13, %dma_wait3A_14] : memref<100000x128xf32, #tpu.memory_space<hbm>> -> memref<100000x128xf32, #tpu.memory_space<hbm>>
    tpu.wait_indirect_dma semaphore(%arg8 : memref<!tpu.dma_semaphore, #tpu.memory_space<semaphore_mem>>) src(%dma_wait3A_15 : memref<100000x128xf32, #tpu.memory_space<hbm>>) dst(%arg6 : memref<128x128xf32, #tpu.memory_space<vmem>>)
    %dma_start3A_16 = arith.constant 0 : i32
    %dma_start3A_17 = tpu.memref_slice %arg4[%mul3A_2, %dma_start3A_16] : memref<8192x128xf32, #tpu.memory_space<hbm>> -> memref<128x128xf32, #tpu.memory_space<hbm>>
    %dma_start3A_18 = arith.constant 0 : i32
    %dma_start3A_19 = tpu.memref_slice %arg4[%mul3A_2, %dma_start3A_18] : memref<8192x128xf32, #tpu.memory_space<hbm>> -> memref<128x128xf32, #tpu.memory_space<hbm>>
    tpu.enqueue_dma source(%arg6 : memref<128x128xf32, #tpu.memory_space<vmem>>) target(%dma_start3A_19 : memref<128x128xf32, #tpu.memory_space<hbm>>) target_semaphore(%arg10 : memref<!tpu.dma_semaphore, #tpu.memory_space<semaphore_mem>>)
    %dma_wait3A_20 = arith.constant 128 : i32
    %dma_wait3A_21 = tpu.memref_slice %arg5[%dma_wait3A_20] : memref<256xi32, #tpu.memory_space<vmem>> -> memref<128xi32, #tpu.memory_space<vmem>>
    %dma_wait3A_22 = arith.constant 0 : i32
    %dma_wait3A_23 = arith.constant 0 : i32
    %dma_wait3A_24 = tpu.memref_slice %arg2[%dma_wait3A_22, %dma_wait3A_23] : memref<100000x128xf32, #tpu.memory_space<hbm>> -> memref<100000x128xf32, #tpu.memory_space<hbm>>
    tpu.wait_indirect_dma semaphore(%arg9 : memref<!tpu.dma_semaphore, #tpu.memory_space<semaphore_mem>>) src(%dma_wait3A_24 : memref<100000x128xf32, #tpu.memory_space<hbm>>) dst(%arg7 : memref<128x128xf32, #tpu.memory_space<vmem>>)
    %add3A_25 = arith.constant 128 : i32
    %add3A_26 = arith.addi %mul3A_2, %add3A_25 : i32
    %dma_start3A_27 = arith.constant 0 : i32
    %dma_start3A_28 = tpu.memref_slice %arg4[%add3A_26, %dma_start3A_27] : memref<8192x128xf32, #tpu.memory_space<hbm>> -> memref<128x128xf32, #tpu.memory_space<hbm>>
    %dma_start3A_29 = arith.constant 0 : i32
    %dma_start3A_30 = tpu.memref_slice %arg4[%add3A_26, %dma_start3A_29] : memref<8192x128xf32, #tpu.memory_space<hbm>> -> memref<128x128xf32, #tpu.memory_space<hbm>>
    tpu.enqueue_dma source(%arg7 : memref<128x128xf32, #tpu.memory_space<vmem>>) target(%dma_start3A_30 : memref<128x128xf32, #tpu.memory_space<hbm>>) target_semaphore(%arg11 : memref<!tpu.dma_semaphore, #tpu.memory_space<semaphore_mem>>)
    %dma_wait3A_31 = arith.constant 0 : i32
    %dma_wait3A_32 = tpu.memref_slice %arg4[%mul3A_2, %dma_wait3A_31] : memref<8192x128xf32, #tpu.memory_space<hbm>> -> memref<128x128xf32, #tpu.memory_space<hbm>>
    %dma_wait3A_33 = arith.constant 0 : i32
    %dma_wait3A_34 = tpu.memref_slice %arg4[%mul3A_2, %dma_wait3A_33] : memref<8192x128xf32, #tpu.memory_space<hbm>> -> memref<128x128xf32, #tpu.memory_space<hbm>>
    tpu.wait_dma2 semaphore(%arg10 : memref<!tpu.dma_semaphore, #tpu.memory_space<semaphore_mem>>) src(%arg6 : memref<128x128xf32, #tpu.memory_space<vmem>>) dst(%dma_wait3A_34 : memref<128x128xf32, #tpu.memory_space<hbm>>)
    %dma_wait3A_35 = arith.constant 0 : i32
    %dma_wait3A_36 = tpu.memref_slice %arg4[%add3A_26, %dma_wait3A_35] : memref<8192x128xf32, #tpu.memory_space<hbm>> -> memref<128x128xf32, #tpu.memory_space<hbm>>
    %dma_wait3A_37 = arith.constant 0 : i32
    %dma_wait3A_38 = tpu.memref_slice %arg4[%add3A_26, %dma_wait3A_37] : memref<8192x128xf32, #tpu.memory_space<hbm>> -> memref<128x128xf32, #tpu.memory_space<hbm>>
    tpu.wait_dma2 semaphore(%arg11 : memref<!tpu.dma_semaphore, #tpu.memory_space<semaphore_mem>>) src(%arg7 : memref<128x128xf32, #tpu.memory_space<vmem>>) dst(%dma_wait3A_38 : memref<128x128xf32, #tpu.memory_space<hbm>>)
    return
  }
}

module attributes {stable_mosaic.version = 14 : i64} {
  func.func @_lse_body(%arg0: i32, %arg1: memref<2048x128xf32, #tpu.memory_space<vmem>>, %arg2: memref<8192x128xf32, #tpu.memory_space<vmem>>, %arg3: memref<1x1xf32, #tpu.memory_space<smem>>) attributes {dimension_semantics = [#tpu.dimension_semantics<arbitrary>], iteration_bounds = array<i64: 2>, scalar_prefetch = 0 : i64, scratch_operands = 0 : i64, tpu.core_type = #tpu.core_type<tc>, window_params = [{transform_indices = @transform_0, window_bounds = array<i64: 2048, 128>}, {pipeline_mode = #tpu.pipeline_mode<synchronous>, transform_indices = @transform_1, window_bounds = array<i64: 8192, 128>}, {transform_indices = @transform_2, window_bounds = array<i64: 1, 1>}]} {
    %get3A = arith.constant 0 : index
    %get3A_0 = arith.constant 0 : index
    %get3A_1 = vector.load %arg1[%get3A, %get3A_0] : memref<2048x128xf32, #tpu.memory_space<vmem>>, vector<2048x128xf32>
    %convert_element_type3A = arith.truncf %get3A_1 : vector<2048x128xf32> to vector<2048x128xbf16>
    %get3A_2 = arith.constant 0 : index
    %get3A_3 = arith.constant 0 : index
    %get3A_4 = vector.load %arg2[%get3A_2, %get3A_3] : memref<8192x128xf32, #tpu.memory_space<vmem>>, vector<8192x128xf32>
    %convert_element_type3A_5 = arith.truncf %get3A_4 : vector<8192x128xf32> to vector<8192x128xbf16>
    %dot_general3A = arith.constant dense<0.000000e+00> : vector<2048x8192xf32>
    %dot_general3A_6 = tpu.matmul %convert_element_type3A, %convert_element_type3A_5, %dot_general3A {dimension_numbers = #tpu.dot_dimension_numbers<[1], [1], [0], [0], [0, 0, 1, 0], [], []>, transpose_lhs_hint = false} : vector<2048x128xbf16>, vector<8192x128xbf16>, vector<2048x8192xf32> -> vector<2048x8192xf32>
    %exp3A = math.exp %dot_general3A_6 : vector<2048x8192xf32>
    %reduce_sum3A = arith.constant dense<0.000000e+00> : vector<2048xf32>
    %reduce_sum3A_7 = vector.multi_reduction <add>, %exp3A, %reduce_sum3A [1] : vector<2048x8192xf32> to vector<2048xf32>
    %log3A = math.log %reduce_sum3A_7 : vector<2048xf32>
    %reduce_sum3A_8 = vector.shape_cast %log3A : vector<2048xf32> to vector<1x2048xf32>
    %reduce_sum3A_9 = arith.constant dense<0.000000e+00> : vector<1xf32>
    %reduce_sum3A_10 = vector.multi_reduction <add>, %reduce_sum3A_8, %reduce_sum3A_9 [1] : vector<1x2048xf32> to vector<1xf32>
    %reduce_sum3A_11 = vector.shape_cast %reduce_sum3A_10 : vector<1xf32> to vector<1x1xf32>
    %reduce_sum3A_12 = vector.extract %reduce_sum3A_11[0, 0] : f32 from vector<1x1xf32>
    %eq3A = arith.constant 0 : i32
    %eq3A_13 = arith.cmpi eq, %arg0, %eq3A : i32
    %convert_element_type3A_14 = arith.extui %eq3A_13 : i1 to i32
    %cond3A = arith.constant 0 : i32
    %cond3A_15 = arith.cmpi ne, %convert_element_type3A_14, %cond3A : i32
    scf.if %cond3A_15 {
      %swap3A = arith.constant 0 : index
      %swap3A_20 = arith.constant 0 : index
      %swap3A_21 = memref.load %arg3[%swap3A, %swap3A_20] : memref<1x1xf32, #tpu.memory_space<smem>>
      memref.store %reduce_sum3A_12, %arg3[%swap3A, %swap3A_20] : memref<1x1xf32, #tpu.memory_space<smem>>
    } else {
    }
    %ne3A = arith.constant 0 : i32
    %ne3A_16 = arith.cmpi ne, %arg0, %ne3A : i32
    %convert_element_type3A_17 = arith.extui %ne3A_16 : i1 to i32
    %cond3A_18 = arith.constant 0 : i32
    %cond3A_19 = arith.cmpi ne, %convert_element_type3A_17, %cond3A_18 : i32
    scf.if %cond3A_19 {
      %get3A_20 = arith.constant 0 : index
      %get3A_21 = arith.constant 0 : index
      %get3A_22 = memref.load %arg3[%get3A_20, %get3A_21] : memref<1x1xf32, #tpu.memory_space<smem>>
      %add3A = arith.addf %get3A_22, %reduce_sum3A_12 : f32
      %swap3A = arith.constant 0 : index
      %swap3A_23 = arith.constant 0 : index
      %swap3A_24 = memref.load %arg3[%swap3A, %swap3A_23] : memref<1x1xf32, #tpu.memory_space<smem>>
      memref.store %add3A, %arg3[%swap3A, %swap3A_23] : memref<1x1xf32, #tpu.memory_space<smem>>
    } else {
    }
    return
  }
  func.func @transform_0(%arg0: i32) -> (i32, i32) {
    %c0_i32 = arith.constant 0 : i32
    %c0_i32_0 = arith.constant 0 : i32
    return %arg0, %c0_i32 : i32, i32
  }
  func.func @transform_1(%arg0: i32) -> (i32, i32) {
    %c0_i32 = arith.constant 0 : i32
    %c0_i32_0 = arith.constant 0 : i32
    %c0_i32_1 = arith.constant 0 : i32
    return %c0_i32, %c0_i32_0 : i32, i32
  }
  func.func @transform_2(%arg0: i32) -> (i32, i32) {
    %c0_i32 = arith.constant 0 : i32
    %c0_i32_0 = arith.constant 0 : i32
    %c0_i32_1 = arith.constant 0 : i32
    return %c0_i32, %c0_i32_0 : i32, i32
  }
}

</mosaic_0001>

<sc_bundles>
// kernel: kernel.5.cloned.1.call-start
scs
__scs_entry_jumppad:
0x0: {  	(pc) =	sbr.rel $0x88, $3  }
0x1: {  	(tag) =	ssettag $0x0;
	lr =	simm.s32 $0x1  }
0x2: {  	[smem:$0x3F9D] =	sst lr;
	_ =	strace $0xD0000000  }
0x3: {  	_ = 	snop  }
0x4: {  	_ = 	snop  }
0x5: {  	_ = 	snop  }
0x6: {  	_ = 	snop  }
0x7: {  	_ = 	snop  }
__scs_overlays_trampoline_lowered:
0x8: {  	[smem:$0x3FAC] =	sst s0  }
0x9: {  	[smem:$0x3FAD] =	sst s1  }
0xa: {  	[smem:$0x3FAE] =	sst s2  }
0xb: {  	[smem:$0x3FAF] =	sst s3  }
0xc: {  	[smem:$0x3FB0] =	sst s4  }
0xd: {  	[smem:$0x3FB1] =	sst s5  }
0xe: {  	[smem:$0x3FB2] =	sst s6  }
0xf: {  	[smem:$0x3FB3] =	sst s7  }
0x10: {  	[smem:$0x3FB4] =	sst s8  }
0x11: {  	[smem:$0x3FB5] =	sst s9;
	s0 =	simm.s32 @!p0 $0x0  }
0x12: {  	s1 =	sld [smem:$0x3F9B];
	s0 =	simm.s32 @p0 $0x1  }
0x13: {  	[smem:$0x3FB6] =	sst s0;
	s0 =	simm.s32 @!p1 $0x0  }
0x14: {  	s2 =	sld [smem:$0x3F9A];
	s0 =	simm.s32 @p1 $0x1  }
0x15: {  	[smem:$0x3FB7] =	sst s0;
	s0 =	simm.s32 @!p2 $0x0  }
0x16: {  	s3 =	sld [smem:$0x3FDB];
	s0 =	simm.s32 @p2 $0x1  }
0x17: {  	s4 =	simm.s32 $0x1BF5;
	[smem:$0x3FB9] =	sst s0  }
0x18: {  	s0 =	sld [smem:$0x3F9C];
	_ =	swait.ge [sflag:s4], $0x0  }
0x19: {  	s7 =	sld [smem:$0x3F9D]  }
0x1a: {  	s8 =	sadd.s32 $0xFFFFE003, lr  }
0x1b: {  	s9 =	sadd.s32 $0xFFFFFEF7, lr;
	s5 =	simm.s32 $0xFFFFFFFF;
	p2 =	slt.u32 s8, $0xFFFFF086  }
0x1c: {  	p1 =	slt.u32 s9, $0xF7A;
	s5 =	simm.s32 @!p2 $0x0  }
0x1d: {  	s5 =	simm.s32 @p1 $0x1;
	p0 =	seq.s32 s7, s2  }
0x1e: {  	s7 =	smul.u32 @!p0 $0xF7A, s2;
	p2 =	seq.s32 @!p0 s5, $0x0  }
0x1f: {  	s9 =	smul.u32 $0xF7A, s1;
	s8 =	simm.s32 @!p0 $0x1BF5;
	p2 =	por !p2, p0  }
0x20: {  	[sflag:s8] =	ssyncset.s32 @!p0 $0xFFFFF086;
	s6 =	sadd.s32 @!p0 s3, s7;
	s7 =	simm.s32 @!p0 $0x108  }
0x21: {  	s3 =	sadd.s32 s3, s9;
	s6 =	sadd.s32 @!p0 $0x88, s6;
	s7 =	simm.s32 @p2 $0x1082  }
0x22: {  	[simem:s7], [sflag:s8] =	dma.local @!p0 [hbm:s6], $0xF7A  }
0x23: {  	s9 =	sor.u32 $0xD0000000, s2;
	s6 =	simm.s32 $0x108;
	_ =	swait.ge @!p0 [sflag:s8], $0x0  }
0x24: {  	s3 =	sadd.s32 $0x88, s3;
	s6 =	simm.s32 @!p1 $0x1082;
	[sflag:s4] =	ssyncset.s32 $0xFFFFF086  }
0x25: {  	[simem:s6], [sflag:s4] =	dma.local [hbm:s3], $0xF7A  }
0x26: {  	[smem:$0x3F9D] =	sst s1;
	(tag) =	ssettag s2;
	_ =	strace s9  }
0x27: {  	s1 =	sld [smem:$0x3FAD]  }
0x28: {  	s2 =	sld [smem:$0x3FAE]  }
0x29: {  	s4 =	sld [smem:$0x3FB0]  }
0x2a: {  	p0 =	seq.s32 s5, $0x0;
	s5 =	sld [smem:$0x3FB1]  }
0x2b: {  	s6 =	sld [smem:$0x3FB2]  }
0x2c: {  	s7 =	sld [smem:$0x3FB3]  }
0x2d: {  	s3 =	simm.s32 $0x108;
	s8 =	sld [smem:$0x3FB4]  }
0x2e: {  	s3 =	simm.s32 @!p0 $0x1082;
	s9 =	sld [smem:$0x3FB5]  }
0x2f: {  	lr =	sadd.s32 s0, s3;
	s0 =	sld [smem:$0x3FAC]  }
0x30: {  	s3 =	sld [smem:$0x3FAF]  }
0x31: {  	[smem:$0x3FB8] =	sst s10  }
0x32: {  	s10 =	sld [smem:$0x3FB6];
	_ =	sdelay $0x3  }
0x33: {  	p0 =	seq.s32 s10, $0x1;
	s10 =	sld [smem:$0x3FB8];
	_ =	sdelay $0x3  }
0x34: {  	[smem:$0x3FB8] =	sst s10  }
0x35: {  	s10 =	sld [smem:$0x3FB7];
	_ =	sdelay $0x3  }
0x36: {  	p1 =	seq.s32 s10, $0x1;
	s10 =	sld [smem:$0x3FB8];
	_ =	sdelay $0x3  }
0x37: {  	[smem:$0x3FB8] =	sst s10  }
0x38: {  	s10 =	sld [smem:$0x3FB9]  }
0x39: {  	_ = 	snop;
	(pc) =	sbr.ind lr, $3  }
0x3a: {  	_ = 	snop  }
0x3b: {  	_ = 	snop  }
0x3c: {  	p2 =	seq.s32 s10, $0x1;
	s10 =	sld [smem:$0x3FB8]  }
0x3d: {  	_ =	shalt  }
0x3e: {  	_ =	shalt  }
0x3f: {  	_ =	shalt  }
0x40: {  	_ =	shalt  }
0x41: {  	_ =	shalt  }
0x42: {  	_ =	shalt  }
0x43: {  	_ =	shalt  }
0x44: {  	_ =	shalt  }
0x45: {  	_ =	shalt  }
0x46: {  	_ =	shalt  }
0x47: {  	_ =	shalt  }
0x48: {  	_ =	shalt  }
0x49: {  	_ =	shalt  }
0x4a: {  	_ =	shalt  }
0x4b: {  	_ =	shalt  }
0x4c: {  	_ =	shalt  }
0x4d: {  	_ =	shalt  }
0x4e: {  	_ =	shalt  }
0x4f: {  	_ =	shalt  }
0x50: {  	_ =	shalt  }
0x51: {  	_ =	shalt  }
0x52: {  	_ =	shalt  }
0x53: {  	_ =	shalt  }
0x54: {  	_ =	shalt  }
0x55: {  	_ =	shalt  }
0x56: {  	_ =	shalt  }
0x57: {  	_ =	shalt  }
0x58: {  	_ =	shalt  }
0x59: {  	_ =	shalt  }
0x5a: {  	_ =	shalt  }
0x5b: {  	_ =	shalt  }
0x5c: {  	_ =	shalt  }
0x5d: {  	_ =	shalt  }
0x5e: {  	_ =	shalt  }
0x5f: {  	_ =	shalt  }
0x60: {  	_ =	shalt  }
0x61: {  	_ =	shalt  }
0x62: {  	_ =	shalt  }
0x63: {  	_ =	shalt  }
0x64: {  	_ =	shalt  }
0x65: {  	_ =	shalt  }
0x66: {  	_ =	shalt  }
0x67: {  	_ =	shalt  }
0x68: {  	_ =	shalt  }
0x69: {  	_ =	shalt  }
0x6a: {  	_ =	shalt  }
0x6b: {  	_ =	shalt  }
0x6c: {  	_ =	shalt  }
0x6d: {  	_ =	shalt  }
0x6e: {  	_ =	shalt  }
0x6f: {  	_ =	shalt  }
0x70: {  	_ =	shalt  }
0x71: {  	_ =	shalt  }
0x72: {  	_ =	shalt  }
0x73: {  	_ =	shalt  }
0x74: {  	_ =	shalt  }
0x75: {  	_ =	shalt  }
0x76: {  	_ =	shalt  }
0x77: {  	_ =	shalt  }
0x78: {  	_ =	shalt  }
0x79: {  	_ =	shalt  }
0x7a: {  	_ =	shalt  }
0x7b: {  	_ =	shalt  }
0x7c: {  	_ =	shalt  }
0x7d: {  	_ =	shalt  }
0x7e: {  	_ =	shalt  }
0x7f: {  	_ =	shalt  }
0x80: {  	_ =	shalt  }
0x81: {  	_ =	shalt  }
0x82: {  	_ =	shalt  }
0x83: {  	_ =	shalt  }
0x84: {  	_ =	shalt  }
0x85: {  	_ =	shalt  }
0x86: {  	_ =	shalt  }
0x87: {  	_ =	shalt  }
.Lfunc_end0:
.L_simem_size_0:
called_computation_lowered:
.L_overlay_start_0:
0x88: {  	s2 =	sld [smem:$0x3FD9]  }
0x89: {  	s3 =	sld [smem:$0x3FFE];
	_ =	sdelay $0x1  }
0x8a: {  	s1 =	srdreg.scid  }
0x8b: {  	s0 =	sand.u32 $0x1, s1  }
0x8c: {  	s17 =	sshll.u32 s0, $0xA;
	s2 =	sadd.s32 s3, s2  }
0x8d: {  	s2 =	sadd.s32 s2, s17  }
0x8e: {  	[smem:$0x3FC4] =	sst s2  }
0x8f: {  	_ = 	snop  }
0x90: {  	s2 =	sld [smem:$0x3FC7]  }
0x91: {  	s18 =	sld [smem:$0x3FC6];
	(tm) =	ssettm $0x1  }
0x92: {  	s4 =	sld [smem:$0x3FFB];
	_ =	sdelay $0x3  }
0x93: {  	_ =	strace s4  }
0x94: {  	s4 =	sld [smem:$0x3FFC];
	_ =	sdelay $0x3  }
0x95: {  	_ =	strace s4  }
0x96: {  	s4 =	sld [smem:$0x3FFD];
	_ =	sdelay $0x3  }
0x97: {  	_ =	strace s4  }
0x98: {  	_ =	strace $0x8FFFFFFF  }
0x99: {  	s19 =	sld [smem:$0x3FDB];
	_ =	sdelay $0x1  }
0x9a: {  	s5 =	simm.s32 $_scs_section_size  }
0x9b: {  	s6 =	simm.s32 $_size__tile_overlayer_lowered;
	s7 =	simm.s32 $_tile_overlayer_lowered  }
0x9c: {  	s22 =	simm.s32 $0x1BFF;
	s21 =	sshll.u32 s7, $0x1;
	s4 =	sadd.s32 s5, s19  }
0x9d: {  	s8 =	simm.s32 $0x0;
	s20 =	sshll.u32 s6, $0x1;
	s6 =	sadd.s32 s21, s4  }
0x9e: {  	[timem:s8], [sflag:s22] =	dma.local [hbm:s6], s20  }
0x9f: {  	_ =	swait.ge [sflag:s22], s20  }
0xa0: {  	s5 =	ssub.s32 $0x0, s20;
	[sflag:s22] =	ssyncset.done $0x0  }
0xa1: {  	[sflag:s22] =	ssyncadd.s32 s5;
	_ =	sdelay $0x1  }
0xa2: {  	s23 =	simm.s32 $0x1B8B  }
0xa3: {  	_ =	swait.ge [sflag:s23], $0x1  }
0xa4: {  	[sflag:s23] =	ssyncset.done $0x0  }
0xa5: {  	s25 =	simm.s32 $0x1B8E;
	s24 =	sld [smem:$0x3FFE];
	[sflag:s23] =	ssyncadd.s32 $0xFFFFFFFF  }
0xa6: {  	s26 =	simm.s32 $execute0_lowered;
	[smem:$0x3FD2] =	sst s25  }
0xa7: {  	s6 =	sshll.u32 s26, $0x1;
	_ =	strace $0x80000046;
	[dreg:$0x1] =	wrdreg $0xFFFFFFFF  }
0xa8: {  	s28 =	simm.s32 $_size_execute0_lowered;
	s4 =	sadd.s32 s4, s6;
	[dreg:$0x0] =	wrdreg $0x0  }
0xa9: {  	s6 =	sshll.u32 s28, $0x1;
	[dreg:$0x2] =	wrdreg s4  }
0xaa: {  	[dreg:$0x3] =	wrdreg s6  }
0xab: {  	[dreg:$0x4] =	wrdreg $0xC0  }
0xac: {  	_ =	task [dreg:s8], $0x5FFFF  }
0xad: {  	[dreg:$0x1] =	wrdreg $0xFFFFFFFF  }
0xae: {  	[dreg:$0x0] =	wrdreg $0x60  }
0xaf: {  	[dreg:$0x2] =	wrdreg s18  }
0xb0: {  	[dreg:$0x3] =	wrdreg s2  }
0xb1: {  	[dreg:$0x4] =	wrdreg s24  }
0xb2: {  	[dreg:$0x5] =	wrdreg $0x9  }
0xb3: {  	_ =	task.clear_ibuf [dreg:s8], $0x6FFFF;
	_ =	strace $0x90000046  }
0xb4: {  	s29 =	simm.s32 $0x9;
	_ =	strace $0x80000048  }
0xb5: {  	_ =	swait.ge [sflag:s29], $0x1  }
0xb6: {  	[sflag:s29] =	ssyncadd.s32 $0xFFFFFFFF  }
0xb7: {  	_ =	strace $0x90000048  }
0xb8: {  	_ =	sfence  }
0xb9: {  	s30 =	sld [smem:$0x0];
	_ =	sdelay $0x2  }
0xba: {  	s31 =	sshll.u32 s1, $0xD;
	s1 =	sshrl.u32 s1, $0x2  }
0xbb: {  	s3 =	sand.u32 $0x4000, s31;
	s1 =	sadd.s32 s1, s30  }
0xbc: {  	s0 =	sor.u32 s3, s0;
	s1 =	sshll.u32 s1, $0x11  }
0xbd: {  	s0 =	sor.u32 s1, s0  }
0xbe: {  	s0 =	sadd.s32 $0x8F2B, s0  }
0xbf: {  	[sflag:s0] =	ssyncadd.remote.s32 $0x1  }
0xc0: {  	_ =	sfence.sel $0xFFFF  }
0xc1: {  	[dreg:$0x0] =	wrdreg $0xFFFFFFFF;
	(pc) =	sbr.abs _section_cstart, $3  }
0xc2: {  	[dreg:$0x1] =	wrdreg $0xFFFFFFFF  }
0xc3: {  	_ =	task.clear_ibuf [dreg:s8], $0x2FFFF;
	_ =	strace $0x9FFFFFFF  }
0xc4: {  	(tm) =	ssettm $0x7FFFFFFF  }
0xc5: {  	_ =	shalt  }
tec
execute0_lowered:
.L_overlay_start_1:
0x0: {  	(tag) =	ssettag $0x1  }
0x1: {  	s1 =	rddreg [dreg:$0x0];
	s2 =	srdreg.scid  }
0x2: {  	s4 =	rddreg [dreg:$0x1];
	s0 =	stileid.u32;
	s12 =	sand.u32 $0x1, s2  }
0x3: {  	s10 =	rddreg [dreg:$0x2];
	s5 =	sshll.u32 s0, $0x9;
	s6 =	sshll.u32 s12, $0x8  }
0x4: {  	s3 =	simm.s32 $0x0;
	s2 =	rddreg [dreg:$0x3];
	s11 =	sor.u32 s6, s5  }
0x5: {  	[smem:$0x7FF] =	sst s3;
	s5 =	sshrl.u32 s11, $0x3  }
0x6: {  	_ =	strace $0x80000047;
	s4 =	sadd.s32 s4, s5;
	s5 =	simm.s32 $0x5  }
0x7: {  	[tilespmem:s3], [sflag:$0x5] =	stream.linear.gather [hbm4b:s4+s3], $0x100, $0x38;
	[tilespmem:$0x8100] =	vst v63  }
0x8: {  	_ =	swait.ge [sflag:s5], $0x100  }
0x9: {  	[sflag:s5] =	ssyncset.done $0x0  }
0xa: {  	s7 =	simm.s32 $0x100;
	s6 =	simm.s32 $0x80;
	[sflag:s5] =	ssyncadd.s32 $0xFFFFFF00  }
0xb: {  	[tilespmem:s7], [sflag:$0x1] =	stream.indirect.gather [hbm4b:s1+s6], $0x80, s3, s6, $0xb8;
	[tilespmem:$0x8100] =	vst v63  }
0xc: {  	s8 =	simm.s32 $0x4100;
	s9 =	simm.s32 $0x1  }
0xd: {  	[tilespmem:s8], [sflag:$0x2] =	stream.indirect.gather [hbm4b:s1+s6], $0x80, s6, s6, $0xb8;
	[tilespmem:$0x8100] =	vst v63  }
0xe: {  	s14 =	ssub.s32 $0x2, s12;
	s11 =	sshll.u32 s11, $0x4;
	_ =	swait.ge [sflag:s9], $0x4000  }
0xf: {  	s15 =	sshrl.u32 s14, $0x1;
	s13 =	sadd.s32 s11, s10;
	[sflag:s9] =	ssyncset.done $0x0  }
0x10: {  	s11 =	simm.s32 $0x2;
	s10 =	sadd.s32 $0x800, s13;
	[sflag:s9] =	ssyncadd.s32 $0xFFFFC000  }
0x11: {  	[hbm4b:s10+s3] =	stream.linear.scatter [tilespmem:s7], [sflag:$0x3], $0x4000, $0x38;
	[tilespmem:$0x8100] =	vst v63  }
0x12: {  	s14 =	ssub.s32 s14, s15;
	_ =	swait.ge [sflag:s11], $0x4000  }
0x13: {  	s15 =	smax.u32 s14, $0x1;
	s12 =	sadd.s32 $0x1000, s13;
	[sflag:s11] =	ssyncset.done $0x0  }
0x14: {  	s13 =	simm.s32 $0x3;
	p0 =	sne.s32 s15, $0x1;
	[sflag:s11] =	ssyncadd.s32 $0xFFFFC000  }
0x15: {  	[hbm4b:s12+s3] =	stream.linear.scatter [tilespmem:s8], [sflag:$0x4], $0x4000, $0x38;
	[tilespmem:$0x8100] =	vst v63  }
.Ltmp0:
0x16: {  	_ =	swait.ge [sflag:s13], $0x4000;
	(pc) =	sbr.rel @!p0 .LBB2_2-.Ltmp0, $4  }
0x17: {  	[sflag:s13] =	ssyncset.done $0x0  }
0x18: {  	s14 =	simm.s32 $0x4;
	[sflag:s13] =	ssyncadd.s32 $0xFFFFC000  }
0x19: {  	_ =	swait.ge [sflag:s14], $0x4000  }
0x1a: {  	s15 =	sadd.s32 $0xFFFFFFFF, s15;
	[sflag:s14] =	ssyncset.done $0x0  }
.LBB2_1:
0x1b: {  	p0 =	sne.s32 s15, $0x1;
	s15 =	sadd.s32 $0xFFFFFFFF, s15;
	[sflag:s14] =	ssyncadd.s32 $0xFFFFC000  }
0x1c: {  	[tilespmem:s3], [sflag:$0x5] =	stream.linear.gather [hbm4b:s4+s3], $0x100, $0x38;
	[tilespmem:$0x8100] =	vst v63  }
0x1d: {  	_ =	swait.ge [sflag:s5], $0x100  }
0x1e: {  	[sflag:s5] =	ssyncset.done $0x0  }
0x1f: {  	[sflag:s5] =	ssyncadd.s32 $0xFFFFFF00  }
0x20: {  	[tilespmem:s7], [sflag:$0x1] =	stream.indirect.gather [hbm4b:s1+s6], $0x80, s3, s6, $0xb8;
	[tilespmem:$0x8100] =	vst v63  }
0x21: {  	_ = 	snop  }
0x22: {  	[tilespmem:s8], [sflag:$0x2] =	stream.indirect.gather [hbm4b:s1+s6], $0x80, s6, s6, $0xb8;
	[tilespmem:$0x8100] =	vst v63  }
0x23: {  	_ =	swait.ge [sflag:s9], $0x4000  }
0x24: {  	[sflag:s9] =	ssyncset.done $0x0  }
0x25: {  	[sflag:s9] =	ssyncadd.s32 $0xFFFFC000  }
0x26: {  	[hbm4b:s10+s3] =	stream.linear.scatter [tilespmem:s7], [sflag:$0x3], $0x4000, $0x38;
	[tilespmem:$0x8100] =	vst v63  }
0x27: {  	_ =	swait.ge [sflag:s11], $0x4000  }
0x28: {  	[sflag:s11] =	ssyncset.done $0x0  }
0x29: {  	[sflag:s11] =	ssyncadd.s32 $0xFFFFC000  }
0x2a: {  	[hbm4b:s12+s3] =	stream.linear.scatter [tilespmem:s8], [sflag:$0x4], $0x4000, $0x38;
	[tilespmem:$0x8100] =	vst v63  }
.Ltmp1:
0x2b: {  	_ =	swait.ge [sflag:s13], $0x4000;
	(pc) =	sbr.rel @p0 .LBB2_1-.Ltmp1, $4  }
0x2c: {  	[sflag:s13] =	ssyncset.done $0x0  }
0x2d: {  	[sflag:s13] =	ssyncadd.s32 $0xFFFFC000  }
0x2e: {  	_ =	swait.ge [sflag:s14], $0x4000  }
0x2f: {  	[sflag:s14] =	ssyncset.done $0x0  }
.LBB2_2:
0x30: {  	[sflag:s14] =	ssyncadd.s32 $0xFFFFC000  }
0x31: {  	_ =	sfence.sel $0x180000  }
0x32: {  	[bflag:$0x0] =	sbarrier.arrive $0xFFFF  }
0x33: {  	p0 =	sne.s32 s0, $0x0;
	_ =	strace $0x90000047  }
0x34: {  	s0 =	sadd.s32 @!p0 $0x100000, s2;
	[bflag:$0x2] =	sbarrier.arrive $0xFFFF  }
0x35: {  	[sflag:s0] =	ssyncadd.tile.s32 @!p0 $0x1;
	_ =	shalt  }
.Lfunc_end2:
_tile_overlayer_lowered:
.L_overlay_start_2:
0x36: {  	(tag) =	ssettag $0x2  }
0x37: {  	s0 =	rddreg [dreg:$0x0];
	s2 =	stileid.u32  }
0x38: {  	s1 =	rddreg [dreg:$0x1];
	p0 =	sne.s32 s2, $0x0  }
0x39: {  	s3 =	rddreg [dreg:$0x2];
	[bflag:$0x3] =	sbarrier.arrive $0xFFFF;
	s2 =	simm.s32 @!p0 $0x1C05  }
0x3a: {  	[timem:s3], [sflag:s2] =	dma.local @!p0 [hbm:s0], s1  }
0x3b: {  	s0 =	simm.s32 @!p0 $0x5  }
0x3c: {  	_ =	swait.ge @!p0 [sflag:s0], s1  }
0x3d: {  	s1 =	ssub.s32 @!p0 $0x0, s1;
	[sflag:s0] =	ssyncset.done @!p0 $0x0  }
0x3e: {  	[sflag:s0] =	ssyncadd.s32 @!p0 s1  }
0x3f: {  	[bflag:$0x3] =	sbarrier.arrive $0xFFFF  }
0x40: {  	_ =	shalt  }

// kernel: kernel.8.cloned.1.call-start
scs
__scs_entry_jumppad:
0x0: {  	(pc) =	sbr.rel $0x88, $3  }
0x1: {  	(tag) =	ssettag $0x0;
	lr =	simm.s32 $0x1  }
0x2: {  	[smem:$0x3F9D] =	sst lr;
	_ =	strace $0xD0000000  }
0x3: {  	_ = 	snop  }
0x4: {  	_ = 	snop  }
0x5: {  	_ = 	snop  }
0x6: {  	_ = 	snop  }
0x7: {  	_ = 	snop  }
__scs_overlays_trampoline_lowered:
0x8: {  	[smem:$0x3FAC] =	sst s0  }
0x9: {  	[smem:$0x3FAD] =	sst s1  }
0xa: {  	[smem:$0x3FAE] =	sst s2  }
0xb: {  	[smem:$0x3FAF] =	sst s3  }
0xc: {  	[smem:$0x3FB0] =	sst s4  }
0xd: {  	[smem:$0x3FB1] =	sst s5  }
0xe: {  	[smem:$0x3FB2] =	sst s6  }
0xf: {  	[smem:$0x3FB3] =	sst s7  }
0x10: {  	[smem:$0x3FB4] =	sst s8  }
0x11: {  	[smem:$0x3FB5] =	sst s9;
	s0 =	simm.s32 @!p0 $0x0  }
0x12: {  	s1 =	sld [smem:$0x3F9B];
	s0 =	simm.s32 @p0 $0x1  }
0x13: {  	[smem:$0x3FB6] =	sst s0;
	s0 =	simm.s32 @!p1 $0x0  }
0x14: {  	s2 =	sld [smem:$0x3F9A];
	s0 =	simm.s32 @p1 $0x1  }
0x15: {  	[smem:$0x3FB7] =	sst s0;
	s0 =	simm.s32 @!p2 $0x0  }
0x16: {  	s3 =	sld [smem:$0x3FDB];
	s0 =	simm.s32 @p2 $0x1  }
0x17: {  	s4 =	simm.s32 $0x1BF5;
	[smem:$0x3FB9] =	sst s0  }
0x18: {  	s0 =	sld [smem:$0x3F9C];
	_ =	swait.ge [sflag:s4], $0x0  }
0x19: {  	s7 =	sld [smem:$0x3F9D]  }
0x1a: {  	s8 =	sadd.s32 $0xFFFFE003, lr  }
0x1b: {  	s9 =	sadd.s32 $0xFFFFFEF7, lr;
	s5 =	simm.s32 $0xFFFFFFFF;
	p2 =	slt.u32 s8, $0xFFFFF086  }
0x1c: {  	p1 =	slt.u32 s9, $0xF7A;
	s5 =	simm.s32 @!p2 $0x0  }
0x1d: {  	s5 =	simm.s32 @p1 $0x1;
	p0 =	seq.s32 s7, s2  }
0x1e: {  	s7 =	smul.u32 @!p0 $0xF7A, s2;
	p2 =	seq.s32 @!p0 s5, $0x0  }
0x1f: {  	s9 =	smul.u32 $0xF7A, s1;
	s8 =	simm.s32 @!p0 $0x1BF5;
	p2 =	por !p2, p0  }
0x20: {  	[sflag:s8] =	ssyncset.s32 @!p0 $0xFFFFF086;
	s6 =	sadd.s32 @!p0 s3, s7;
	s7 =	simm.s32 @!p0 $0x108  }
0x21: {  	s3 =	sadd.s32 s3, s9;
	s6 =	sadd.s32 @!p0 $0x88, s6;
	s7 =	simm.s32 @p2 $0x1082  }
0x22: {  	[simem:s7], [sflag:s8] =	dma.local @!p0 [hbm:s6], $0xF7A  }
0x23: {  	s9 =	sor.u32 $0xD0000000, s2;
	s6 =	simm.s32 $0x108;
	_ =	swait.ge @!p0 [sflag:s8], $0x0  }
0x24: {  	s3 =	sadd.s32 $0x88, s3;
	s6 =	simm.s32 @!p1 $0x1082;
	[sflag:s4] =	ssyncset.s32 $0xFFFFF086  }
0x25: {  	[simem:s6], [sflag:s4] =	dma.local [hbm:s3], $0xF7A  }
0x26: {  	[smem:$0x3F9D] =	sst s1;
	(tag) =	ssettag s2;
	_ =	strace s9  }
0x27: {  	s1 =	sld [smem:$0x3FAD]  }
0x28: {  	s2 =	sld [smem:$0x3FAE]  }
0x29: {  	s4 =	sld [smem:$0x3FB0]  }
0x2a: {  	p0 =	seq.s32 s5, $0x0;
	s5 =	sld [smem:$0x3FB1]  }
0x2b: {  	s6 =	sld [smem:$0x3FB2]  }
0x2c: {  	s7 =	sld [smem:$0x3FB3]  }
0x2d: {  	s3 =	simm.s32 $0x108;
	s8 =	sld [smem:$0x3FB4]  }
0x2e: {  	s3 =	simm.s32 @!p0 $0x1082;
	s9 =	sld [smem:$0x3FB5]  }
0x2f: {  	lr =	sadd.s32 s0, s3;
	s0 =	sld [smem:$0x3FAC]  }
0x30: {  	s3 =	sld [smem:$0x3FAF]  }
0x31: {  	[smem:$0x3FB8] =	sst s10  }
0x32: {  	s10 =	sld [smem:$0x3FB6];
	_ =	sdelay $0x3  }
0x33: {  	p0 =	seq.s32 s10, $0x1;
	s10 =	sld [smem:$0x3FB8];
	_ =	sdelay $0x3  }
0x34: {  	[smem:$0x3FB8] =	sst s10  }
0x35: {  	s10 =	sld [smem:$0x3FB7];
	_ =	sdelay $0x3  }
0x36: {  	p1 =	seq.s32 s10, $0x1;
	s10 =	sld [smem:$0x3FB8];
	_ =	sdelay $0x3  }
0x37: {  	[smem:$0x3FB8] =	sst s10  }
0x38: {  	s10 =	sld [smem:$0x3FB9]  }
0x39: {  	_ = 	snop;
	(pc) =	sbr.ind lr, $3  }
0x3a: {  	_ = 	snop  }
0x3b: {  	_ = 	snop  }
0x3c: {  	p2 =	seq.s32 s10, $0x1;
	s10 =	sld [smem:$0x3FB8]  }
0x3d: {  	_ =	shalt  }
0x3e: {  	_ =	shalt  }
0x3f: {  	_ =	shalt  }
0x40: {  	_ =	shalt  }
0x41: {  	_ =	shalt  }
0x42: {  	_ =	shalt  }
0x43: {  	_ =	shalt  }
0x44: {  	_ =	shalt  }
0x45: {  	_ =	shalt  }
0x46: {  	_ =	shalt  }
0x47: {  	_ =	shalt  }
0x48: {  	_ =	shalt  }
0x49: {  	_ =	shalt  }
0x4a: {  	_ =	shalt  }
0x4b: {  	_ =	shalt  }
0x4c: {  	_ =	shalt  }
0x4d: {  	_ =	shalt  }
0x4e: {  	_ =	shalt  }
0x4f: {  	_ =	shalt  }
0x50: {  	_ =	shalt  }
0x51: {  	_ =	shalt  }
0x52: {  	_ =	shalt  }
0x53: {  	_ =	shalt  }
0x54: {  	_ =	shalt  }
0x55: {  	_ =	shalt  }
0x56: {  	_ =	shalt  }
0x57: {  	_ =	shalt  }
0x58: {  	_ =	shalt  }
0x59: {  	_ =	shalt  }
0x5a: {  	_ =	shalt  }
0x5b: {  	_ =	shalt  }
0x5c: {  	_ =	shalt  }
0x5d: {  	_ =	shalt  }
0x5e: {  	_ =	shalt  }
0x5f: {  	_ =	shalt  }
0x60: {  	_ =	shalt  }
0x61: {  	_ =	shalt  }
0x62: {  	_ =	shalt  }
0x63: {  	_ =	shalt  }
0x64: {  	_ =	shalt  }
0x65: {  	_ =	shalt  }
0x66: {  	_ =	shalt  }
0x67: {  	_ =	shalt  }
0x68: {  	_ =	shalt  }
0x69: {  	_ =	shalt  }
0x6a: {  	_ =	shalt  }
0x6b: {  	_ =	shalt  }
0x6c: {  	_ =	shalt  }
0x6d: {  	_ =	shalt  }
0x6e: {  	_ =	shalt  }
0x6f: {  	_ =	shalt  }
0x70: {  	_ =	shalt  }
0x71: {  	_ =	shalt  }
0x72: {  	_ =	shalt  }
0x73: {  	_ =	shalt  }
0x74: {  	_ =	shalt  }
0x75: {  	_ =	shalt  }
0x76: {  	_ =	shalt  }
0x77: {  	_ =	shalt  }
0x78: {  	_ =	shalt  }
0x79: {  	_ =	shalt  }
0x7a: {  	_ =	shalt  }
0x7b: {  	_ =	shalt  }
0x7c: {  	_ =	shalt  }
0x7d: {  	_ =	shalt  }
0x7e: {  	_ =	shalt  }
0x7f: {  	_ =	shalt  }
0x80: {  	_ =	shalt  }
0x81: {  	_ =	shalt  }
0x82: {  	_ =	shalt  }
0x83: {  	_ =	shalt  }
0x84: {  	_ =	shalt  }
0x85: {  	_ =	shalt  }
0x86: {  	_ =	shalt  }
0x87: {  	_ =	shalt  }
.Lfunc_end0:
.L_simem_size_0:
called_computation.1_lowered:
.L_overlay_start_0:
0x88: {  	s2 =	sld [smem:$0x3FD9]  }
0x89: {  	s3 =	sld [smem:$0x3FFE];
	_ =	sdelay $0x1  }
0x8a: {  	s1 =	srdreg.scid  }
0x8b: {  	s0 =	sand.u32 $0x1, s1  }
0x8c: {  	s17 =	sshll.u32 s0, $0xA;
	s2 =	sadd.s32 s3, s2  }
0x8d: {  	s2 =	sadd.s32 s2, s17  }
0x8e: {  	[smem:$0x3FC4] =	sst s2  }
0x8f: {  	_ = 	snop  }
0x90: {  	s18 =	sld [smem:$0x3FC9]  }
0x91: {  	s4 =	sld [smem:$0x3FC8]  }
0x92: {  	s5 =	sld [smem:$0x3FC6];
	(tm) =	ssettm $0x1  }
0x93: {  	s19 =	sld [smem:$0x3FFB];
	_ =	sdelay $0x3  }
0x94: {  	_ =	strace s19  }
0x95: {  	s2 =	sld [smem:$0x3FFC];
	_ =	sdelay $0x3  }
0x96: {  	_ =	strace s2  }
0x97: {  	s2 =	sld [smem:$0x3FFD];
	_ =	sdelay $0x3  }
0x98: {  	_ =	strace s2  }
0x99: {  	_ =	strace $0x8FFFFFFF  }
0x9a: {  	s20 =	sld [smem:$0x3FDB];
	_ =	sdelay $0x1  }
0x9b: {  	s6 =	simm.s32 $_scs_section_size  }
0x9c: {  	s7 =	simm.s32 $_size__tile_overlayer_lowered;
	s8 =	simm.s32 $_tile_overlayer_lowered  }
0x9d: {  	s9 =	simm.s32 $0x1BFF;
	s21 =	sshll.u32 s8, $0x1;
	s6 =	sadd.s32 s6, s20  }
0x9e: {  	s22 =	simm.s32 $0x0;
	s7 =	sshll.u32 s7, $0x1;
	s8 =	sadd.s32 s21, s6  }
0x9f: {  	[timem:s22], [sflag:s9] =	dma.local [hbm:s8], s7  }
0xa0: {  	_ =	swait.ge [sflag:s9], s7  }
0xa1: {  	s7 =	ssub.s32 $0x0, s7;
	[sflag:s9] =	ssyncset.done $0x0  }
0xa2: {  	[sflag:s9] =	ssyncadd.s32 s7;
	_ =	sdelay $0x1  }
0xa3: {  	s23 =	simm.s32 $0x1B8B  }
0xa4: {  	_ =	swait.ge [sflag:s23], $0x1  }
0xa5: {  	[sflag:s23] =	ssyncset.done $0x0  }
0xa6: {  	[sflag:s23] =	ssyncadd.s32 $0xFFFFFFFF  }
0xa7: {  	s7 =	sld [smem:$0x0]  }
0xa8: {  	s8 =	sand.u32 $0xFFFFFFFE, s1  }
0xa9: {  	p0 =	sne.s32 s1, s8  }
0xaa: {  	s8 =	sshll.u32 @p0 s8, $0xE  }
0xab: {  	s8 =	sadd.s32 @p0 $0x11B8D, s8;
	s9 =	sshll.u32 @p0 s7, $0x11  }
0xac: {  	s8 =	sor.u32 @p0 s9, s8  }
0xad: {  	[sflag:s8] =	ssyncadd.remote.s32 @p0 $0x1;
	_ =	sdelay $0x1  }
0xae: {  	s8 =	simm.s32 @p0 $0x1B8D  }
0xaf: {  	_ =	swait.eq @p0 [sflag:s8], $0x1  }
0xb0: {  	[sflag:s8] =	ssyncadd.s32 @p0 $0xFFFFFFFF  }
0xb1: {  	s9 =	sshll.u32 @!p0 s1, $0xE  }
0xb2: {  	s9 =	sor.u32 @!p0 $0x4000, s9;
	s8 =	simm.s32 @!p0 $0x1B8D  }
0xb3: {  	s7 =	sshll.u32 @!p0 s7, $0x11;
	s9 =	sadd.s32 @!p0 $0x11B8D, s9;
	_ =	swait.eq @!p0 [sflag:s8], $0x1  }
0xb4: {  	s7 =	sor.u32 @!p0 s7, s9;
	[sflag:s8] =	ssyncadd.s32 @!p0 $0xFFFFFFFF  }
0xb5: {  	s25 =	simm.s32 $0x1B8E;
	s24 =	sld [smem:$0x3FFE];
	[sflag:s7] =	ssyncadd.remote.s32 @!p0 $0x1  }
0xb6: {  	s26 =	simm.s32 $execute0_lowered;
	[smem:$0x3FD2] =	sst s25  }
0xb7: {  	s8 =	sshll.u32 s26, $0x1;
	_ =	strace $0x80000049;
	[dreg:$0x1] =	wrdreg $0xFFFFFFFF  }
0xb8: {  	s28 =	simm.s32 $_size_execute0_lowered;
	s6 =	sadd.s32 s6, s8;
	[dreg:$0x0] =	wrdreg $0x0  }
0xb9: {  	s8 =	sshll.u32 s28, $0x1;
	[dreg:$0x2] =	wrdreg s6  }
0xba: {  	[dreg:$0x3] =	wrdreg s8  }
0xbb: {  	[dreg:$0x4] =	wrdreg $0xC0  }
0xbc: {  	_ =	task [dreg:s22], $0x5FFFF  }
0xbd: {  	[dreg:$0x1] =	wrdreg $0xFFFFFFFF  }
0xbe: {  	[dreg:$0x0] =	wrdreg $0x60  }
0xbf: {  	[dreg:$0x2] =	wrdreg s18  }
0xc0: {  	[dreg:$0x3] =	wrdreg s4  }
0xc1: {  	[dreg:$0x4] =	wrdreg s5  }
0xc2: {  	[dreg:$0x5] =	wrdreg s24  }
0xc3: {  	[dreg:$0x6] =	wrdreg $0xA  }
0xc4: {  	_ =	task.clear_ibuf [dreg:s22], $0x7FFFF;
	_ =	strace $0x90000049  }
0xc5: {  	s29 =	simm.s32 $0xA;
	_ =	strace $0x8000004B  }
0xc6: {  	_ =	swait.ge [sflag:s29], $0x1  }
0xc7: {  	[sflag:s29] =	ssyncadd.s32 $0xFFFFFFFF  }
0xc8: {  	_ =	strace $0x9000004B  }
0xc9: {  	_ =	sfence  }
0xca: {  	s30 =	sld [smem:$0x0];
	_ =	sdelay $0x2  }
0xcb: {  	s31 =	sshll.u32 s1, $0xD;
	s1 =	sshrl.u32 s1, $0x2  }
0xcc: {  	s4 =	sand.u32 $0x4000, s31;
	s1 =	sadd.s32 s1, s30  }
0xcd: {  	s0 =	sor.u32 s4, s0;
	s1 =	sshll.u32 s1, $0x11  }
0xce: {  	s0 =	sor.u32 s1, s0  }
0xcf: {  	s0 =	sadd.s32 $0x8F2B, s0  }
0xd0: {  	[sflag:s0] =	ssyncadd.remote.s32 $0x1  }
0xd1: {  	_ =	sfence.sel $0xFFFF  }
0xd2: {  	[dreg:$0x0] =	wrdreg $0xFFFFFFFF;
	(pc) =	sbr.abs _section_cstart, $3  }
0xd3: {  	[dreg:$0x1] =	wrdreg $0xFFFFFFFF  }
0xd4: {  	_ =	task.clear_ibuf [dreg:s22], $0x2FFFF;
	_ =	strace $0x9FFFFFFF  }
0xd5: {  	(tm) =	ssettm $0x7FFFFFFF  }
tec
execute0_lowered:
.L_overlay_start_1:
0x0: {  	(tag) =	ssettag $0x1  }
0x1: {  	s5 =	rddreg [dreg:$0x0]  }
0x2: {  	s4 =	rddreg [dreg:$0x1]  }
0x3: {  	s2 =	rddreg [dreg:$0x2]  }
0x4: {  	s1 =	srdreg.scid;
	s0 =	stileid.u32  }
0x5: {  	s6 =	rddreg [dreg:$0x3];
	s3 =	simm.s32 $0x0;
	s11 =	simm.s32 $0x1  }
0x6: {  	s12 =	simm.s32 $0x8080;
	s7 =	sand.u32 $0x1, s1;
	s1 =	rddreg [dreg:$0x4]  }
0x7: {  	s13 =	simm.s32 $0x0;
	s8 =	sshll.u32 s0, $0x1;
	[smem:$0x7FF] =	sst s3  }
0x8: {  	s8 =	sor.u32 s7, s8;
	s7 =	ssub.s32 $0x2, s7;
	_ =	strace $0x8000004A  }
0x9: {  	s9 =	sshll.u32 s8, $0x4;
	s10 =	sshrl.u32 s7, $0x1;
	s8 =	sshll.u32 s8, $0xB  }
0xa: {  	s6 =	sadd.s32 s9, s6;
	s7 =	ssub.s32 s7, s10;
	s4 =	sadd.s32 s4, s9  }
0xb: {  	s5 =	sadd.s32 s5, s8;
	s8 =	simm.s32 $0x2;
	s9 =	simm.s32 $0x80  }
0xc: {  	s10 =	simm.s32 $0x4080;
	s6 =	sadd.s32 $0x20800, s6;
	s7 =	smax.u32 s7, $0x1  }
.LBB2_1:
0xd: {  	[tilespmem:s3], [sflag:$0x2] =	stream.linear.gather [hbm4b:s4+s3], $0x80, $0x38;
	[tilespmem:$0x8100] =	vst v63  }
0xe: {  	_ =	swait.ge [sflag:s8], $0x80  }
0xf: {  	[sflag:s8] =	ssyncset.done $0x0  }
0x10: {  	[sflag:s8] =	ssyncadd.s32 $0xFFFFFF80  }
0x11: {  	[tilespmem:s9], [sflag:$0x1] =	stream.indirect.gather [hbm4b:s2+s9], $0x80, s3, s9, $0xb8;
	[tilespmem:$0x8100] =	vst v63  }
0x12: {  	_ = 	snop  }
0x13: {  	[tilespmem:s10], [sflag:$0x2] =	stream.linear.gather [hbm4b:s5+s3], $0x4000, $0x38;
	[tilespmem:$0x8100] =	vst v63  }
0x14: {  	_ =	swait.ge [sflag:s8], $0x4000  }
0x15: {  	[sflag:s8] =	ssyncset.done $0x0  }
0x16: {  	[sflag:s8] =	ssyncadd.s32 $0xFFFFC000  }
0x17: {  	_ =	swait.ge [sflag:s11], $0x4000  }
0x18: {  	[sflag:s11] =	ssyncset.done $0x0  }
0x19: {  	s15 =	simm.s32 $0x0;
	[sflag:s11] =	ssyncadd.s32 $0xFFFFC000  }
0x1a: {  	v0 =	vld [tilespmem:s15+$0x80]  }
0x1b: {  	v1 =	vld [tilespmem:s15+$0x4080]  }
0x1c: {  	v2 =	vld [tilespmem:s15+$0x90]  }
0x1d: {  	v3 =	vld [tilespmem:s15+$0x4090]  }
0x1e: {  	v4 =	vld [tilespmem:s15+$0xA0]  }
0x1f: {  	v5 =	vld [tilespmem:s15+$0x40A0]  }
0x20: {  	v7 =	vld [tilespmem:s15+$0x40B0];
	v0 =	vmul.f32 v1, v0  }
0x21: {  	v6 =	vimm.f32 $0.0e+00;
	v1 =	vld [tilespmem:s15+$0xB0]  }
0x22: {  	v8 =	vld [tilespmem:s15+$0x40C0];
	v2 =	vmul.f32 v3, v2;
	v0 =	vadd.f32 v0, v6  }
0x23: {  	v6 =	vld [tilespmem:s15+$0xC0]  }
0x24: {  	v9 =	vld [tilespmem:s15+$0xD0];
	v0 =	vadd.f32 v2, v0;
	v2 =	vmul.f32 v5, v4  }
0x25: {  	v10 =	vld [tilespmem:s15+$0x40D0]  }
0x26: {  	v3 =	vld [tilespmem:s15+$0x40E0];
	v1 =	vmul.f32 v7, v1;
	v2 =	vadd.f32 v2, v0  }
0x27: {  	v0 =	vld [tilespmem:s15+$0xE0]  }
0x28: {  	v4 =	vld [tilespmem:s15+$0x40F0];
	v6 =	vmul.f32 v8, v6;
	v5 =	vadd.f32 v1, v2  }
0x29: {  	s14 =	simm.s32 $0x80;
	v1 =	vld [tilespmem:s15+$0xF0]  }
0x2a: {  	v2 =	vld [tilespmem:s14+$0x80];
	s15 =	simm.s32 $0x400;
	v5 =	vadd.f32 v6, v5;
	v6 =	vmul.f32 v10, v9  }
.LBB2_2:
0x2b: {  	p0 =	sne.s32 s15, $0xFE00;
	v7 =	vld [tilespmem:s14+$0x4080]  }
0x2c: {  	v8 =	vld [tilespmem:s14+$0x90];
	v5 =	vadd.f32 v6, v5;
	v0 =	vmul.f32 v3, v0  }
0x2d: {  	v3 =	vld [tilespmem:s14+$0x4090]  }
0x2e: {  	v6 =	vld [tilespmem:s14+$0xA0];
	v0 =	vadd.f32 v0, v5;
	v1 =	vmul.f32 v4, v1  }
0x2f: {  	v4 =	vld [tilespmem:s14+$0x40A0]  }
0x30: {  	v2 =	vmul.f32 v7, v2;
	v5 =	vld [tilespmem:s14+$0xB0];
	v0 =	vadd.f32 v1, v0  }
0x31: {  	v1 =	vld [tilespmem:s14+$0x40B0]  }
0x32: {  	v0 =	vadd.f32 v2, v0;
	v2 =	vmul.f32 v3, v8;
	v7 =	vld [tilespmem:s14+$0xC0]  }
0x33: {  	v8 =	vld [tilespmem:s14+$0x40C0]  }
0x34: {  	v0 =	vadd.f32 v2, v0;
	v2 =	vmul.f32 v4, v6;
	v6 =	vld [tilespmem:s14+$0xD0]  }
0x35: {  	v9 =	vld [tilespmem:s14+$0x40D0]  }
.Ltmp0:
0x36: {  	v2 =	vadd.f32 v2, v0;
	v1 =	vmul.f32 v1, v5;
	v0 =	vld [tilespmem:s14+$0xE0];
	(pc) =	sbr.rel @p0 .LBB2_2-.Ltmp0, $4  }
0x37: {  	v3 =	vld [tilespmem:s14+$0x40E0]  }
0x38: {  	v5 =	vadd.f32 v1, v2;
	v7 =	vmul.f32 v8, v7;
	v1 =	vld [tilespmem:s14+$0xF0]  }
0x39: {  	v4 =	vld [tilespmem:s14+$0x40F0];
	s14 =	sshra.s32 s15, $0x2  }
0x3a: {  	s15 =	sadd.s32 $0x200, s15;
	v2 =	vld [tilespmem:s14+$0x80];
	v5 =	vadd.f32 v7, v5;
	v6 =	vmul.f32 v9, v6  }
0x3b: {  	v7 =	vld [tilespmem:s14+$0x4080]  }
0x3c: {  	v8 =	vld [tilespmem:s14+$0x90];
	v5 =	vadd.f32 v6, v5;
	v0 =	vmul.f32 v3, v0  }
0x3d: {  	v45 =	vld [tilespmem:s14+$0x4090]  }
0x3e: {  	v46 =	vld [tilespmem:s14+$0xA0];
	v0 =	vadd.f32 v0, v5;
	v1 =	vmul.f32 v4, v1  }
0x3f: {  	v47 =	vld [tilespmem:s14+$0x40A0]  }
0x40: {  	v48 =	vld [tilespmem:s14+$0xB0];
	v2 =	vmul.f32 v7, v2;
	v0 =	vadd.f32 v1, v0  }
0x41: {  	v49 =	vld [tilespmem:s14+$0x40B0]  }
0x42: {  	v51 =	vld [tilespmem:s14+$0xC0];
	v50 =	vmul.f32 v45, v8;
	v0 =	vadd.f32 v2, v0  }
0x43: {  	v52 =	vld [tilespmem:s14+$0x40C0]  }
0x44: {  	v54 =	vld [tilespmem:s14+$0xD0];
	v53 =	vmul.f32 v47, v46;
	v0 =	vadd.f32 v50, v0  }
0x45: {  	v55 =	vld [tilespmem:s14+$0x40D0]  }
0x46: {  	v56 =	vld [tilespmem:s14+$0xE0];
	v1 =	vmul.f32 v49, v48;
	v0 =	vadd.f32 v53, v0  }
0x47: {  	v57 =	vld [tilespmem:s14+$0x40E0]  }
0x48: {  	v59 =	vld [tilespmem:s14+$0xF0];
	v58 =	vmul.f32 v52, v51;
	v0 =	vadd.f32 v1, v0  }
0x49: {  	v60 =	vld [tilespmem:s14+$0x40F0]  }
0x4a: {  	v61 =	vmul.f32 v55, v54;
	v0 =	vadd.f32 v58, v0;
	_ =	sdelay $0x1  }
0x4b: {  	v62 =	vmul.f32 v57, v56;
	v0 =	vadd.f32 v61, v0;
	_ =	sdelay $0x1  }
0x4c: {  	v63 =	vmul.f32 v60, v59;
	v0 =	vadd.f32 v62, v0;
	_ =	sdelay $0x1  }
0x4d: {  	s13 =	sadd.s32 $0x1, s13;
	v0 =	vadd.f32 v63, v0  }
0x4e: {  	p0 =	sne.s32 s13, s7  }
.Ltmp1:
0x4f: {  	[tilespmem:$0x8080] =	vst v0;
	(pc) =	sbr.rel @p0 .LBB2_1-.Ltmp1, $4  }
0x50: {  	[hbm4b:s6+s3] =	stream.linear.scatter [tilespmem:s12], [sflag:$0x2], $0x80, $0x38;
	[tilespmem:$0x8100] =	vst v63  }
0x51: {  	_ =	swait.ge [sflag:s8], $0x80  }
0x52: {  	[sflag:s8] =	ssyncset.done $0x0  }
0x53: {  	[sflag:s8] =	ssyncadd.s32 $0xFFFFFF80  }
0x54: {  	_ =	sfence.sel $0x180000  }
0x55: {  	[bflag:$0x0] =	sbarrier.arrive $0xFFFF  }
0x56: {  	p0 =	sne.s32 s0, $0x0;
	_ =	strace $0x9000004A  }
0x57: {  	s0 =	sadd.s32 @!p0 $0x100000, s1;
	[bflag:$0x2] =	sbarrier.arrive $0xFFFF  }
0x58: {  	[sflag:s0] =	ssyncadd.tile.s32 @!p0 $0x1;
	_ =	shalt  }
.Lfunc_end2:
_tile_overlayer_lowered:
.L_overlay_start_2:
0x59: {  	(tag) =	ssettag $0x2  }
0x5a: {  	s0 =	rddreg [dreg:$0x0];
	s2 =	stileid.u32  }
0x5b: {  	s1 =	rddreg [dreg:$0x1];
	p0 =	sne.s32 s2, $0x0  }
0x5c: {  	s3 =	rddreg [dreg:$0x2];
	[bflag:$0x3] =	sbarrier.arrive $0xFFFF;
	s2 =	simm.s32 @!p0 $0x1C02  }
0x5d: {  	[timem:s3], [sflag:s2] =	dma.local @!p0 [hbm:s0], s1  }
0x5e: {  	s0 =	simm.s32 @!p0 $0x2  }
0x5f: {  	_ =	swait.ge @!p0 [sflag:s0], s1  }
0x60: {  	s1 =	ssub.s32 @!p0 $0x0, s1;
	[sflag:s0] =	ssyncset.done @!p0 $0x0  }
0x61: {  	[sflag:s0] =	ssyncadd.s32 @!p0 s1  }
0x62: {  	[bflag:$0x3] =	sbarrier.arrive $0xFFFF  }
0x63: {  	_ =	shalt  }

</sc_bundles>
